<compile_context>
chip_gen: v7x
topology: tpu7x:2x2x1
jax: 0.10.2.dev20260603
libtpu: 0.0.44.dev20260713+nightly
codegen_flags: <defaults>
</compile_context>

<pallas_src>
import functools

import jax
import jax.numpy as jnp
from jax import lax
from jax.experimental import pallas as pl
from jax.experimental.pallas import tpu as pltpu
from jax.experimental.pallas import tpu_sc as plsc

NUM_EMBED = 1000000
EMBED_DIM = 64
COL_DIM = 16
BATCH = 16384

_info = plsc.get_sparse_core_info()
NC, NS, L = _info.num_cores, _info.num_subcores, _info.num_lanes
NW = NC * NS
B_PER_W = BATCH // NW
CHUNK = 128
NCHUNK = B_PER_W // CHUNK


def _make_kernel():
    mesh = plsc.VectorSubcoreMesh(core_axis_name="c", subcore_axis_name="s")

    @functools.partial(
        pl.kernel,
        mesh=mesh,
        out_type=jax.ShapeDtypeStruct((BATCH, EMBED_DIM), jnp.float32),
        compiler_params=pltpu.CompilerParams(use_tc_tiling_on_sc=False),
        scratch_types=[
            pltpu.VMEM((NCHUNK, CHUNK), jnp.int32),
            pltpu.VMEM((B_PER_W, EMBED_DIM), jnp.float32),
            pltpu.VMEM((1, COL_DIM), jnp.float32),
            pltpu.SemaphoreType.DMA,
        ],
    )
    def k(x_hbm, table_hbm, shared_hbm, out_hbm, idx_v, rows_v, sh_v, sem):
        wid = lax.axis_index("s") * NC + lax.axis_index("c")
        base = wid * B_PER_W

        for j in range(NCHUNK):
            pltpu.sync_copy(x_hbm.at[pl.ds(base + j * CHUNK, CHUNK)], idx_v.at[j])
        pltpu.sync_copy(shared_hbm, sh_v)

        copies = []
        for j in range(NCHUNK):
            copies.append(
                pltpu.async_copy(
                    table_hbm.at[idx_v.at[j]],
                    rows_v.at[pl.ds(j * CHUNK, CHUNK)],
                    sem,
                )
            )
        for c in copies:
            c.wait()

        sh = sh_v[0, :]

        def body(i, _):
            rows_v[i, 0:COL_DIM] = sh
            return 0

        lax.fori_loop(0, B_PER_W, body, 0)

        pltpu.sync_copy(rows_v, out_hbm.at[pl.ds(base, B_PER_W)])

    return k


_kernel = _make_kernel()


def kernel(X, embed_weight, shared_embed):
    return _kernel(X.astype(jnp.int32), embed_weight, shared_embed)

# --- scband reference (transcript-rebuilt; emitter-appended) ---
"""Pipeline reference for scband-shared-embeddings-7516192768025 (READ-ONLY COPY).

The authoritative reference and input builder live on the scoring server;
editing this copy changes nothing except your own understanding.
"""

import jax, jax.numpy as jnp
import numpy as np

NUM_EMBED = 1000000
EMBED_DIM = 64
FRAC_SHARED = 0.25
COL_DIM = int(EMBED_DIM * FRAC_SHARED)  # 16
BATCH = 16384


def setup_inputs(seed: int = 0) -> dict:
    key = jax.random.key(seed)
    k1, k2, k3 = jax.random.split(key, 3)
    X = jax.random.randint(k1, (BATCH,), 0, NUM_EMBED)
    # nn.Embedding weight ~ N(0,1), clamped to [-2, 2]; padding_idx=0 row is zero
    embed_weight = jnp.clip(jax.random.normal(k2, (NUM_EMBED, EMBED_DIM), dtype=jnp.float32), -2.0, 2.0)
    embed_weight = embed_weight.at[0].set(0.0)
    shared_embed = jax.random.uniform(k3, (1, COL_DIM), dtype=jnp.float32, minval=-1.0, maxval=1.0)
    return {"X": X, "embed_weight": embed_weight, "shared_embed": shared_embed}


def reference(X, embed_weight, shared_embed):
    # out = self.embed(X)
    out = jnp.take(embed_weight, X, axis=0)
    # shared_embed = self.shared_embed.expand(out.shape[0], -1)
    col = shared_embed.shape[1]
    se = jnp.broadcast_to(shared_embed, (out.shape[0], col))
    # add_shared_embed=False branch: overwrite first `col` columns
    out = out.at[:, :col].set(se)
    return out

if __name__ == "__main__":
    import jax
    _d = setup_inputs()
    print(jax.jit(kernel)(*tuple(_d.values())))

</pallas_src>

<mosaic_0001>
#map = affine_map<(d0, d1) -> (0)>
#map1 = affine_map<(d0, d1) -> (0, 0)>
module attributes {stable_mosaic.version = 14 : i64} {
  func.func @k(%arg0: i32, %arg1: i32, %arg2: memref<16384xi32, #tpu.memory_space<hbm>>, %arg3: memref<1000000x64xf32, #tpu.memory_space<hbm>>, %arg4: memref<1x16xf32, #tpu.memory_space<hbm>>, %arg5: memref<16384x64xf32, #tpu.memory_space<hbm>>, %arg6: memref<4x128xi32, #tpu.memory_space<vmem>>, %arg7: memref<512x64xf32, #tpu.memory_space<vmem>>, %arg8: memref<1x16xf32, #tpu.memory_space<vmem>>, %arg9: memref<!tpu.dma_semaphore, #tpu.memory_space<semaphore_mem>>) attributes {dimension_semantics = [#tpu.dimension_semantics<core_parallel>, #tpu.dimension_semantics<subcore_parallel>], iteration_bounds = array<i64: 2, 16>, scalar_prefetch = 0 : i64, scratch_operands = 4 : i64, tpu.core_type = #tpu.core_type<sc_vector_subcore>, window_params = [{transform_indices = #map}, {transform_indices = #map1}, {transform_indices = #map1}, {transform_indices = #map1}]} {
    %mul3A = arith.constant 2 : i32
    %mul3A_0 = arith.muli %arg1, %mul3A : i32
    %add3A = arith.addi %mul3A_0, %arg0 : i32
    %mul3A_1 = arith.constant 512 : i32
    %mul3A_2 = arith.muli %add3A, %mul3A_1 : i32
    %add3A_3 = arith.constant 0 : i32
    %add3A_4 = arith.addi %mul3A_2, %add3A_3 : i32
    %run_scoped3A = arith.constant 0 : i32
    "tpu.region"() ({
      %run_scoped3A_102 = tpu.sem_alloc : memref<!tpu.dma_semaphore, #tpu.memory_space<semaphore_mem>>
      %dma_start3A_103 = arith.constant 0 : i32
      %dma_start3A_104 = tpu.memref_slice %arg6[%run_scoped3A, %dma_start3A_103] : memref<4x128xi32, #tpu.memory_space<vmem>> -> memref<1x128xi32, #tpu.memory_space<vmem>>
      %dma_start3A_105 = tpu.memref_squeeze %dma_start3A_104 : memref<1x128xi32, #tpu.memory_space<vmem>> -> memref<128xi32, #tpu.memory_space<vmem>>
      %dma_start3A_106 = tpu.memref_slice %arg2[%add3A_4] : memref<16384xi32, #tpu.memory_space<hbm>> -> memref<128xi32, #tpu.memory_space<hbm>>
      %dma_start3A_107 = arith.constant 0 : i32
      %dma_start3A_108 = tpu.memref_slice %arg6[%run_scoped3A, %dma_start3A_107] : memref<4x128xi32, #tpu.memory_space<vmem>> -> memref<1x128xi32, #tpu.memory_space<vmem>>
      %dma_start3A_109 = tpu.memref_squeeze %dma_start3A_108 : memref<1x128xi32, #tpu.memory_space<vmem>> -> memref<128xi32, #tpu.memory_space<vmem>>
      %dma_start3A_110 = tpu.memref_slice %arg2[%add3A_4] : memref<16384xi32, #tpu.memory_space<hbm>> -> memref<128xi32, #tpu.memory_space<hbm>>
      tpu.enqueue_dma source(%dma_start3A_110 : memref<128xi32, #tpu.memory_space<hbm>>) target(%dma_start3A_109 : memref<128xi32, #tpu.memory_space<vmem>>) target_semaphore(%run_scoped3A_102 : memref<!tpu.dma_semaphore, #tpu.memory_space<semaphore_mem>>)
      %dma_wait3A_111 = arith.constant 0 : i32
      %dma_wait3A_112 = tpu.memref_slice %arg6[%run_scoped3A, %dma_wait3A_111] : memref<4x128xi32, #tpu.memory_space<vmem>> -> memref<1x128xi32, #tpu.memory_space<vmem>>
      %dma_wait3A_113 = tpu.memref_squeeze %dma_wait3A_112 : memref<1x128xi32, #tpu.memory_space<vmem>> -> memref<128xi32, #tpu.memory_space<vmem>>
      %dma_wait3A_114 = tpu.memref_slice %arg2[%add3A_4] : memref<16384xi32, #tpu.memory_space<hbm>> -> memref<128xi32, #tpu.memory_space<hbm>>
      %dma_wait3A_115 = arith.constant 0 : i32
      %dma_wait3A_116 = tpu.memref_slice %arg6[%run_scoped3A, %dma_wait3A_115] : memref<4x128xi32, #tpu.memory_space<vmem>> -> memref<1x128xi32, #tpu.memory_space<vmem>>
      %dma_wait3A_117 = tpu.memref_squeeze %dma_wait3A_116 : memref<1x128xi32, #tpu.memory_space<vmem>> -> memref<128xi32, #tpu.memory_space<vmem>>
      %dma_wait3A_118 = tpu.memref_slice %arg2[%add3A_4] : memref<16384xi32, #tpu.memory_space<hbm>> -> memref<128xi32, #tpu.memory_space<hbm>>
      tpu.wait_dma2 semaphore(%run_scoped3A_102 : memref<!tpu.dma_semaphore, #tpu.memory_space<semaphore_mem>>) src(%dma_wait3A_118 : memref<128xi32, #tpu.memory_space<hbm>>) dst(%dma_wait3A_117 : memref<128xi32, #tpu.memory_space<vmem>>)
      tpu.yield
    }) : () -> ()
    %add3A_5 = arith.constant 128 : i32
    %add3A_6 = arith.addi %mul3A_2, %add3A_5 : i32
    %run_scoped3A_7 = arith.constant 1 : i32
    "tpu.region"() ({
      %run_scoped3A_102 = tpu.sem_alloc : memref<!tpu.dma_semaphore, #tpu.memory_space<semaphore_mem>>
      %dma_start3A_103 = arith.constant 0 : i32
      %dma_start3A_104 = tpu.memref_slice %arg6[%run_scoped3A_7, %dma_start3A_103] : memref<4x128xi32, #tpu.memory_space<vmem>> -> memref<1x128xi32, #tpu.memory_space<vmem>>
      %dma_start3A_105 = tpu.memref_squeeze %dma_start3A_104 : memref<1x128xi32, #tpu.memory_space<vmem>> -> memref<128xi32, #tpu.memory_space<vmem>>
      %dma_start3A_106 = tpu.memref_slice %arg2[%add3A_6] : memref<16384xi32, #tpu.memory_space<hbm>> -> memref<128xi32, #tpu.memory_space<hbm>>
      %dma_start3A_107 = arith.constant 0 : i32
      %dma_start3A_108 = tpu.memref_slice %arg6[%run_scoped3A_7, %dma_start3A_107] : memref<4x128xi32, #tpu.memory_space<vmem>> -> memref<1x128xi32, #tpu.memory_space<vmem>>
      %dma_start3A_109 = tpu.memref_squeeze %dma_start3A_108 : memref<1x128xi32, #tpu.memory_space<vmem>> -> memref<128xi32, #tpu.memory_space<vmem>>
      %dma_start3A_110 = tpu.memref_slice %arg2[%add3A_6] : memref<16384xi32, #tpu.memory_space<hbm>> -> memref<128xi32, #tpu.memory_space<hbm>>
      tpu.enqueue_dma source(%dma_start3A_110 : memref<128xi32, #tpu.memory_space<hbm>>) target(%dma_start3A_109 : memref<128xi32, #tpu.memory_space<vmem>>) target_semaphore(%run_scoped3A_102 : memref<!tpu.dma_semaphore, #tpu.memory_space<semaphore_mem>>)
      %dma_wait3A_111 = arith.constant 0 : i32
      %dma_wait3A_112 = tpu.memref_slice %arg6[%run_scoped3A_7, %dma_wait3A_111] : memref<4x128xi32, #tpu.memory_space<vmem>> -> memref<1x128xi32, #tpu.memory_space<vmem>>
      %dma_wait3A_113 = tpu.memref_squeeze %dma_wait3A_112 : memref<1x128xi32, #tpu.memory_space<vmem>> -> memref<128xi32, #tpu.memory_space<vmem>>
      %dma_wait3A_114 = tpu.memref_slice %arg2[%add3A_6] : memref<16384xi32, #tpu.memory_space<hbm>> -> memref<128xi32, #tpu.memory_space<hbm>>
      %dma_wait3A_115 = arith.constant 0 : i32
      %dma_wait3A_116 = tpu.memref_slice %arg6[%run_scoped3A_7, %dma_wait3A_115] : memref<4x128xi32, #tpu.memory_space<vmem>> -> memref<1x128xi32, #tpu.memory_space<vmem>>
      %dma_wait3A_117 = tpu.memref_squeeze %dma_wait3A_116 : memref<1x128xi32, #tpu.memory_space<vmem>> -> memref<128xi32, #tpu.memory_space<vmem>>
      %dma_wait3A_118 = tpu.memref_slice %arg2[%add3A_6] : memref<16384xi32, #tpu.memory_space<hbm>> -> memref<128xi32, #tpu.memory_space<hbm>>
      tpu.wait_dma2 semaphore(%run_scoped3A_102 : memref<!tpu.dma_semaphore, #tpu.memory_space<semaphore_mem>>) src(%dma_wait3A_118 : memref<128xi32, #tpu.memory_space<hbm>>) dst(%dma_wait3A_117 : memref<128xi32, #tpu.memory_space<vmem>>)
      tpu.yield
    }) : () -> ()
    %add3A_8 = arith.constant 256 : i32
    %add3A_9 = arith.addi %mul3A_2, %add3A_8 : i32
    %run_scoped3A_10 = arith.constant 2 : i32
    "tpu.region"() ({
      %run_scoped3A_102 = tpu.sem_alloc : memref<!tpu.dma_semaphore, #tpu.memory_space<semaphore_mem>>
      %dma_start3A_103 = arith.constant 0 : i32
      %dma_start3A_104 = tpu.memref_slice %arg6[%run_scoped3A_10, %dma_start3A_103] : memref<4x128xi32, #tpu.memory_space<vmem>> -> memref<1x128xi32, #tpu.memory_space<vmem>>
      %dma_start3A_105 = tpu.memref_squeeze %dma_start3A_104 : memref<1x128xi32, #tpu.memory_space<vmem>> -> memref<128xi32, #tpu.memory_space<vmem>>
      %dma_start3A_106 = tpu.memref_slice %arg2[%add3A_9] : memref<16384xi32, #tpu.memory_space<hbm>> -> memref<128xi32, #tpu.memory_space<hbm>>
      %dma_start3A_107 = arith.constant 0 : i32
      %dma_start3A_108 = tpu.memref_slice %arg6[%run_scoped3A_10, %dma_start3A_107] : memref<4x128xi32, #tpu.memory_space<vmem>> -> memref<1x128xi32, #tpu.memory_space<vmem>>
      %dma_start3A_109 = tpu.memref_squeeze %dma_start3A_108 : memref<1x128xi32, #tpu.memory_space<vmem>> -> memref<128xi32, #tpu.memory_space<vmem>>
      %dma_start3A_110 = tpu.memref_slice %arg2[%add3A_9] : memref<16384xi32, #tpu.memory_space<hbm>> -> memref<128xi32, #tpu.memory_space<hbm>>
      tpu.enqueue_dma source(%dma_start3A_110 : memref<128xi32, #tpu.memory_space<hbm>>) target(%dma_start3A_109 : memref<128xi32, #tpu.memory_space<vmem>>) target_semaphore(%run_scoped3A_102 : memref<!tpu.dma_semaphore, #tpu.memory_space<semaphore_mem>>)
      %dma_wait3A_111 = arith.constant 0 : i32
      %dma_wait3A_112 = tpu.memref_slice %arg6[%run_scoped3A_10, %dma_wait3A_111] : memref<4x128xi32, #tpu.memory_space<vmem>> -> memref<1x128xi32, #tpu.memory_space<vmem>>
      %dma_wait3A_113 = tpu.memref_squeeze %dma_wait3A_112 : memref<1x128xi32, #tpu.memory_space<vmem>> -> memref<128xi32, #tpu.memory_space<vmem>>
      %dma_wait3A_114 = tpu.memref_slice %arg2[%add3A_9] : memref<16384xi32, #tpu.memory_space<hbm>> -> memref<128xi32, #tpu.memory_space<hbm>>
      %dma_wait3A_115 = arith.constant 0 : i32
      %dma_wait3A_116 = tpu.memref_slice %arg6[%run_scoped3A_10, %dma_wait3A_115] : memref<4x128xi32, #tpu.memory_space<vmem>> -> memref<1x128xi32, #tpu.memory_space<vmem>>
      %dma_wait3A_117 = tpu.memref_squeeze %dma_wait3A_116 : memref<1x128xi32, #tpu.memory_space<vmem>> -> memref<128xi32, #tpu.memory_space<vmem>>
      %dma_wait3A_118 = tpu.memref_slice %arg2[%add3A_9] : memref<16384xi32, #tpu.memory_space<hbm>> -> memref<128xi32, #tpu.memory_space<hbm>>
      tpu.wait_dma2 semaphore(%run_scoped3A_102 : memref<!tpu.dma_semaphore, #tpu.memory_space<semaphore_mem>>) src(%dma_wait3A_118 : memref<128xi32, #tpu.memory_space<hbm>>) dst(%dma_wait3A_117 : memref<128xi32, #tpu.memory_space<vmem>>)
      tpu.yield
    }) : () -> ()
    %add3A_11 = arith.constant 384 : i32
    %add3A_12 = arith.addi %mul3A_2, %add3A_11 : i32
    %run_scoped3A_13 = arith.constant 3 : i32
    "tpu.region"() ({
      %run_scoped3A_102 = tpu.sem_alloc : memref<!tpu.dma_semaphore, #tpu.memory_space<semaphore_mem>>
      %dma_start3A_103 = arith.constant 0 : i32
      %dma_start3A_104 = tpu.memref_slice %arg6[%run_scoped3A_13, %dma_start3A_103] : memref<4x128xi32, #tpu.memory_space<vmem>> -> memref<1x128xi32, #tpu.memory_space<vmem>>
      %dma_start3A_105 = tpu.memref_squeeze %dma_start3A_104 : memref<1x128xi32, #tpu.memory_space<vmem>> -> memref<128xi32, #tpu.memory_space<vmem>>
      %dma_start3A_106 = tpu.memref_slice %arg2[%add3A_12] : memref<16384xi32, #tpu.memory_space<hbm>> -> memref<128xi32, #tpu.memory_space<hbm>>
      %dma_start3A_107 = arith.constant 0 : i32
      %dma_start3A_108 = tpu.memref_slice %arg6[%run_scoped3A_13, %dma_start3A_107] : memref<4x128xi32, #tpu.memory_space<vmem>> -> memref<1x128xi32, #tpu.memory_space<vmem>>
      %dma_start3A_109 = tpu.memref_squeeze %dma_start3A_108 : memref<1x128xi32, #tpu.memory_space<vmem>> -> memref<128xi32, #tpu.memory_space<vmem>>
      %dma_start3A_110 = tpu.memref_slice %arg2[%add3A_12] : memref<16384xi32, #tpu.memory_space<hbm>> -> memref<128xi32, #tpu.memory_space<hbm>>
      tpu.enqueue_dma source(%dma_start3A_110 : memref<128xi32, #tpu.memory_space<hbm>>) target(%dma_start3A_109 : memref<128xi32, #tpu.memory_space<vmem>>) target_semaphore(%run_scoped3A_102 : memref<!tpu.dma_semaphore, #tpu.memory_space<semaphore_mem>>)
      %dma_wait3A_111 = arith.constant 0 : i32
      %dma_wait3A_112 = tpu.memref_slice %arg6[%run_scoped3A_13, %dma_wait3A_111] : memref<4x128xi32, #tpu.memory_space<vmem>> -> memref<1x128xi32, #tpu.memory_space<vmem>>
      %dma_wait3A_113 = tpu.memref_squeeze %dma_wait3A_112 : memref<1x128xi32, #tpu.memory_space<vmem>> -> memref<128xi32, #tpu.memory_space<vmem>>
      %dma_wait3A_114 = tpu.memref_slice %arg2[%add3A_12] : memref<16384xi32, #tpu.memory_space<hbm>> -> memref<128xi32, #tpu.memory_space<hbm>>
      %dma_wait3A_115 = arith.constant 0 : i32
      %dma_wait3A_116 = tpu.memref_slice %arg6[%run_scoped3A_13, %dma_wait3A_115] : memref<4x128xi32, #tpu.memory_space<vmem>> -> memref<1x128xi32, #tpu.memory_space<vmem>>
      %dma_wait3A_117 = tpu.memref_squeeze %dma_wait3A_116 : memref<1x128xi32, #tpu.memory_space<vmem>> -> memref<128xi32, #tpu.memory_space<vmem>>
      %dma_wait3A_118 = tpu.memref_slice %arg2[%add3A_12] : memref<16384xi32, #tpu.memory_space<hbm>> -> memref<128xi32, #tpu.memory_space<hbm>>
      tpu.wait_dma2 semaphore(%run_scoped3A_102 : memref<!tpu.dma_semaphore, #tpu.memory_space<semaphore_mem>>) src(%dma_wait3A_118 : memref<128xi32, #tpu.memory_space<hbm>>) dst(%dma_wait3A_117 : memref<128xi32, #tpu.memory_space<vmem>>)
      tpu.yield
    }) : () -> ()
    "tpu.region"() ({
      %run_scoped3A_102 = tpu.sem_alloc : memref<!tpu.dma_semaphore, #tpu.memory_space<semaphore_mem>>
      tpu.enqueue_dma source(%arg4 : memref<1x16xf32, #tpu.memory_space<hbm>>) target(%arg8 : memref<1x16xf32, #tpu.memory_space<vmem>>) target_semaphore(%run_scoped3A_102 : memref<!tpu.dma_semaphore, #tpu.memory_space<semaphore_mem>>)
      tpu.wait_dma2 semaphore(%run_scoped3A_102 : memref<!tpu.dma_semaphore, #tpu.memory_space<semaphore_mem>>) src(%arg4 : memref<1x16xf32, #tpu.memory_space<hbm>>) dst(%arg8 : memref<1x16xf32, #tpu.memory_space<vmem>>)
      tpu.yield
    }) : () -> ()
    %dma_start3A = arith.constant 0 : i32
    %dma_start3A_14 = arith.constant 0 : i32
    %dma_start3A_15 = arith.constant 0 : i32
    %dma_start3A_16 = tpu.memref_slice %arg7[%dma_start3A_14, %dma_start3A_15] : memref<512x64xf32, #tpu.memory_space<vmem>> -> memref<128x64xf32, #tpu.memory_space<vmem>>
    %dma_start3A_17 = arith.constant 0 : i32
    %dma_start3A_18 = tpu.memref_slice %arg6[%dma_start3A, %dma_start3A_17] : memref<4x128xi32, #tpu.memory_space<vmem>> -> memref<1x128xi32, #tpu.memory_space<vmem>>
    %dma_start3A_19 = tpu.memref_squeeze %dma_start3A_18 : memref<1x128xi32, #tpu.memory_space<vmem>> -> memref<128xi32, #tpu.memory_space<vmem>>
    %dma_start3A_20 = arith.constant 0 : i32
    %dma_start3A_21 = arith.constant 0 : i32
    %dma_start3A_22 = tpu.memref_slice %arg3[%dma_start3A_20, %dma_start3A_21] : memref<1000000x64xf32, #tpu.memory_space<hbm>> -> memref<1000000x64xf32, #tpu.memory_space<hbm>>
    tpu.enqueue_indirect_dma source(%dma_start3A_22 : memref<1000000x64xf32, #tpu.memory_space<hbm>>) target(%dma_start3A_16 : memref<128x64xf32, #tpu.memory_space<vmem>>) offsets(%dma_start3A_19 : memref<128xi32, #tpu.memory_space<vmem>>) semaphore(%arg9 : memref<!tpu.dma_semaphore, #tpu.memory_space<semaphore_mem>>)
    %dma_start3A_23 = arith.constant 1 : i32
    %dma_start3A_24 = arith.constant 128 : i32
    %dma_start3A_25 = arith.constant 0 : i32
    %dma_start3A_26 = tpu.memref_slice %arg7[%dma_start3A_24, %dma_start3A_25] : memref<512x64xf32, #tpu.memory_space<vmem>> -> memref<128x64xf32, #tpu.memory_space<vmem>>
    %dma_start3A_27 = arith.constant 0 : i32
    %dma_start3A_28 = tpu.memref_slice %arg6[%dma_start3A_23, %dma_start3A_27] : memref<4x128xi32, #tpu.memory_space<vmem>> -> memref<1x128xi32, #tpu.memory_space<vmem>>
    %dma_start3A_29 = tpu.memref_squeeze %dma_start3A_28 : memref<1x128xi32, #tpu.memory_space<vmem>> -> memref<128xi32, #tpu.memory_space<vmem>>
    %dma_start3A_30 = arith.constant 0 : i32
    %dma_start3A_31 = arith.constant 0 : i32
    %dma_start3A_32 = tpu.memref_slice %arg3[%dma_start3A_30, %dma_start3A_31] : memref<1000000x64xf32, #tpu.memory_space<hbm>> -> memref<1000000x64xf32, #tpu.memory_space<hbm>>
    tpu.enqueue_indirect_dma source(%dma_start3A_32 : memref<1000000x64xf32, #tpu.memory_space<hbm>>) target(%dma_start3A_26 : memref<128x64xf32, #tpu.memory_space<vmem>>) offsets(%dma_start3A_29 : memref<128xi32, #tpu.memory_space<vmem>>) semaphore(%arg9 : memref<!tpu.dma_semaphore, #tpu.memory_space<semaphore_mem>>)
    %dma_start3A_33 = arith.constant 2 : i32
    %dma_start3A_34 = arith.constant 256 : i32
    %dma_start3A_35 = arith.constant 0 : i32
    %dma_start3A_36 = tpu.memref_slice %arg7[%dma_start3A_34, %dma_start3A_35] : memref<512x64xf32, #tpu.memory_space<vmem>> -> memref<128x64xf32, #tpu.memory_space<vmem>>
    %dma_start3A_37 = arith.constant 0 : i32
    %dma_start3A_38 = tpu.memref_slice %arg6[%dma_start3A_33, %dma_start3A_37] : memref<4x128xi32, #tpu.memory_space<vmem>> -> memref<1x128xi32, #tpu.memory_space<vmem>>
    %dma_start3A_39 = tpu.memref_squeeze %dma_start3A_38 : memref<1x128xi32, #tpu.memory_space<vmem>> -> memref<128xi32, #tpu.memory_space<vmem>>
    %dma_start3A_40 = arith.constant 0 : i32
    %dma_start3A_41 = arith.constant 0 : i32
    %dma_start3A_42 = tpu.memref_slice %arg3[%dma_start3A_40, %dma_start3A_41] : memref<1000000x64xf32, #tpu.memory_space<hbm>> -> memref<1000000x64xf32, #tpu.memory_space<hbm>>
    tpu.enqueue_indirect_dma source(%dma_start3A_42 : memref<1000000x64xf32, #tpu.memory_space<hbm>>) target(%dma_start3A_36 : memref<128x64xf32, #tpu.memory_space<vmem>>) offsets(%dma_start3A_39 : memref<128xi32, #tpu.memory_space<vmem>>) semaphore(%arg9 : memref<!tpu.dma_semaphore, #tpu.memory_space<semaphore_mem>>)
    %dma_start3A_43 = arith.constant 3 : i32
    %dma_start3A_44 = arith.constant 384 : i32
    %dma_start3A_45 = arith.constant 0 : i32
    %dma_start3A_46 = tpu.memref_slice %arg7[%dma_start3A_44, %dma_start3A_45] : memref<512x64xf32, #tpu.memory_space<vmem>> -> memref<128x64xf32, #tpu.memory_space<vmem>>
    %dma_start3A_47 = arith.constant 0 : i32
    %dma_start3A_48 = tpu.memref_slice %arg6[%dma_start3A_43, %dma_start3A_47] : memref<4x128xi32, #tpu.memory_space<vmem>> -> memref<1x128xi32, #tpu.memory_space<vmem>>
    %dma_start3A_49 = tpu.memref_squeeze %dma_start3A_48 : memref<1x128xi32, #tpu.memory_space<vmem>> -> memref<128xi32, #tpu.memory_space<vmem>>
    %dma_start3A_50 = arith.constant 0 : i32
    %dma_start3A_51 = arith.constant 0 : i32
    %dma_start3A_52 = tpu.memref_slice %arg3[%dma_start3A_50, %dma_start3A_51] : memref<1000000x64xf32, #tpu.memory_space<hbm>> -> memref<1000000x64xf32, #tpu.memory_space<hbm>>
    tpu.enqueue_indirect_dma source(%dma_start3A_52 : memref<1000000x64xf32, #tpu.memory_space<hbm>>) target(%dma_start3A_46 : memref<128x64xf32, #tpu.memory_space<vmem>>) offsets(%dma_start3A_49 : memref<128xi32, #tpu.memory_space<vmem>>) semaphore(%arg9 : memref<!tpu.dma_semaphore, #tpu.memory_space<semaphore_mem>>)
    %dma_wait3A = arith.constant 0 : i32
    %dma_wait3A_53 = arith.constant 0 : i32
    %dma_wait3A_54 = arith.constant 0 : i32
    %dma_wait3A_55 = tpu.memref_slice %arg7[%dma_wait3A_53, %dma_wait3A_54] : memref<512x64xf32, #tpu.memory_space<vmem>> -> memref<128x64xf32, #tpu.memory_space<vmem>>
    %dma_wait3A_56 = arith.constant 0 : i32
    %dma_wait3A_57 = tpu.memref_slice %arg6[%dma_wait3A, %dma_wait3A_56] : memref<4x128xi32, #tpu.memory_space<vmem>> -> memref<1x128xi32, #tpu.memory_space<vmem>>
    %dma_wait3A_58 = tpu.memref_squeeze %dma_wait3A_57 : memref<1x128xi32, #tpu.memory_space<vmem>> -> memref<128xi32, #tpu.memory_space<vmem>>
    %dma_wait3A_59 = arith.constant 0 : i32
    %dma_wait3A_60 = arith.constant 0 : i32
    %dma_wait3A_61 = tpu.memref_slice %arg3[%dma_wait3A_59, %dma_wait3A_60] : memref<1000000x64xf32, #tpu.memory_space<hbm>> -> memref<1000000x64xf32, #tpu.memory_space<hbm>>
    tpu.wait_indirect_dma semaphore(%arg9 : memref<!tpu.dma_semaphore, #tpu.memory_space<semaphore_mem>>) src(%dma_wait3A_61 : memref<1000000x64xf32, #tpu.memory_space<hbm>>) dst(%dma_wait3A_55 : memref<128x64xf32, #tpu.memory_space<vmem>>)
    %dma_wait3A_62 = arith.constant 1 : i32
    %dma_wait3A_63 = arith.constant 128 : i32
    %dma_wait3A_64 = arith.constant 0 : i32
    %dma_wait3A_65 = tpu.memref_slice %arg7[%dma_wait3A_63, %dma_wait3A_64] : memref<512x64xf32, #tpu.memory_space<vmem>> -> memref<128x64xf32, #tpu.memory_space<vmem>>
    %dma_wait3A_66 = arith.constant 0 : i32
    %dma_wait3A_67 = tpu.memref_slice %arg6[%dma_wait3A_62, %dma_wait3A_66] : memref<4x128xi32, #tpu.memory_space<vmem>> -> memref<1x128xi32, #tpu.memory_space<vmem>>
    %dma_wait3A_68 = tpu.memref_squeeze %dma_wait3A_67 : memref<1x128xi32, #tpu.memory_space<vmem>> -> memref<128xi32, #tpu.memory_space<vmem>>
    %dma_wait3A_69 = arith.constant 0 : i32
    %dma_wait3A_70 = arith.constant 0 : i32
    %dma_wait3A_71 = tpu.memref_slice %arg3[%dma_wait3A_69, %dma_wait3A_70] : memref<1000000x64xf32, #tpu.memory_space<hbm>> -> memref<1000000x64xf32, #tpu.memory_space<hbm>>
    tpu.wait_indirect_dma semaphore(%arg9 : memref<!tpu.dma_semaphore, #tpu.memory_space<semaphore_mem>>) src(%dma_wait3A_71 : memref<1000000x64xf32, #tpu.memory_space<hbm>>) dst(%dma_wait3A_65 : memref<128x64xf32, #tpu.memory_space<vmem>>)
    %dma_wait3A_72 = arith.constant 2 : i32
    %dma_wait3A_73 = arith.constant 256 : i32
    %dma_wait3A_74 = arith.constant 0 : i32
    %dma_wait3A_75 = tpu.memref_slice %arg7[%dma_wait3A_73, %dma_wait3A_74] : memref<512x64xf32, #tpu.memory_space<vmem>> -> memref<128x64xf32, #tpu.memory_space<vmem>>
    %dma_wait3A_76 = arith.constant 0 : i32
    %dma_wait3A_77 = tpu.memref_slice %arg6[%dma_wait3A_72, %dma_wait3A_76] : memref<4x128xi32, #tpu.memory_space<vmem>> -> memref<1x128xi32, #tpu.memory_space<vmem>>
    %dma_wait3A_78 = tpu.memref_squeeze %dma_wait3A_77 : memref<1x128xi32, #tpu.memory_space<vmem>> -> memref<128xi32, #tpu.memory_space<vmem>>
    %dma_wait3A_79 = arith.constant 0 : i32
    %dma_wait3A_80 = arith.constant 0 : i32
    %dma_wait3A_81 = tpu.memref_slice %arg3[%dma_wait3A_79, %dma_wait3A_80] : memref<1000000x64xf32, #tpu.memory_space<hbm>> -> memref<1000000x64xf32, #tpu.memory_space<hbm>>
    tpu.wait_indirect_dma semaphore(%arg9 : memref<!tpu.dma_semaphore, #tpu.memory_space<semaphore_mem>>) src(%dma_wait3A_81 : memref<1000000x64xf32, #tpu.memory_space<hbm>>) dst(%dma_wait3A_75 : memref<128x64xf32, #tpu.memory_space<vmem>>)
    %dma_wait3A_82 = arith.constant 3 : i32
    %dma_wait3A_83 = arith.constant 384 : i32
    %dma_wait3A_84 = arith.constant 0 : i32
    %dma_wait3A_85 = tpu.memref_slice %arg7[%dma_wait3A_83, %dma_wait3A_84] : memref<512x64xf32, #tpu.memory_space<vmem>> -> memref<128x64xf32, #tpu.memory_space<vmem>>
    %dma_wait3A_86 = arith.constant 0 : i32
    %dma_wait3A_87 = tpu.memref_slice %arg6[%dma_wait3A_82, %dma_wait3A_86] : memref<4x128xi32, #tpu.memory_space<vmem>> -> memref<1x128xi32, #tpu.memory_space<vmem>>
    %dma_wait3A_88 = tpu.memref_squeeze %dma_wait3A_87 : memref<1x128xi32, #tpu.memory_space<vmem>> -> memref<128xi32, #tpu.memory_space<vmem>>
    %dma_wait3A_89 = arith.constant 0 : i32
    %dma_wait3A_90 = arith.constant 0 : i32
    %dma_wait3A_91 = tpu.memref_slice %arg3[%dma_wait3A_89, %dma_wait3A_90] : memref<1000000x64xf32, #tpu.memory_space<hbm>> -> memref<1000000x64xf32, #tpu.memory_space<hbm>>
    tpu.wait_indirect_dma semaphore(%arg9 : memref<!tpu.dma_semaphore, #tpu.memory_space<semaphore_mem>>) src(%dma_wait3A_91 : memref<1000000x64xf32, #tpu.memory_space<hbm>>) dst(%dma_wait3A_85 : memref<128x64xf32, #tpu.memory_space<vmem>>)
    %get3A = arith.constant 0 : i32
    %get3A_92 = arith.index_cast %get3A : i32 to index
    %get3A_93 = arith.constant 0 : index
    %get3A_94 = tpu.vector_load %arg8[%get3A_92, %get3A_93] {strides = array<i32>} : memref<1x16xf32, #tpu.memory_space<vmem>>, vector<1x16xf32>,
    %get3A_95 = vector.shape_cast %get3A_94 : vector<1x16xf32> to vector<16xf32>
    %scan3A = arith.constant 0 : i32
    %scan3A_96 = arith.constant 0 : i32
    %scan3A_97 = arith.constant 512 : i32
    %scan3A_98 = arith.addi %scan3A_96, %scan3A_97 : i32
    %scan3A_99 = arith.constant 1 : i32
    %scan3A_100 = scf.for %scan3A_102 = %scan3A_96 to %scan3A_98 step %scan3A_99 iter_args(%scan3A_103 = %scan3A) -> (i32)  : i32 {
      %swap3A = arith.index_cast %scan3A_102 : i32 to index
      %swap3A_104 = arith.constant 0 : index
      %swap3A_105 = tpu.vector_load %arg7[%swap3A, %swap3A_104] {strides = array<i32>} : memref<512x64xf32, #tpu.memory_space<vmem>>, vector<1x16xf32>,
      %swap3A_106 = vector.shape_cast %swap3A_105 : vector<1x16xf32> to vector<16xf32>
      %swap3A_107 = vector.shape_cast %get3A_95 : vector<16xf32> to vector<1x16xf32>
      tpu.vector_store %arg7[%swap3A, %swap3A_104], %swap3A_107 {strides = array<i32>} : memref<512x64xf32, #tpu.memory_space<vmem>>, vector<1x16xf32>,
      %scan3A_108 = arith.constant 0 : i32
      scf.yield %scan3A_108 : i32
    }
    %scan3A_101 = arith.constant 512 : i32
    "tpu.region"() ({
      %run_scoped3A_102 = tpu.sem_alloc : memref<!tpu.dma_semaphore, #tpu.memory_space<semaphore_mem>>
      %dma_start3A_103 = arith.constant 0 : i32
      %dma_start3A_104 = tpu.memref_slice %arg5[%mul3A_2, %dma_start3A_103] : memref<16384x64xf32, #tpu.memory_space<hbm>> -> memref<512x64xf32, #tpu.memory_space<hbm>>
      %dma_start3A_105 = arith.constant 0 : i32
      %dma_start3A_106 = tpu.memref_slice %arg5[%mul3A_2, %dma_start3A_105] : memref<16384x64xf32, #tpu.memory_space<hbm>> -> memref<512x64xf32, #tpu.memory_space<hbm>>
      tpu.enqueue_dma source(%arg7 : memref<512x64xf32, #tpu.memory_space<vmem>>) target(%dma_start3A_106 : memref<512x64xf32, #tpu.memory_space<hbm>>) target_semaphore(%run_scoped3A_102 : memref<!tpu.dma_semaphore, #tpu.memory_space<semaphore_mem>>)
      %dma_wait3A_107 = arith.constant 0 : i32
      %dma_wait3A_108 = tpu.memref_slice %arg5[%mul3A_2, %dma_wait3A_107] : memref<16384x64xf32, #tpu.memory_space<hbm>> -> memref<512x64xf32, #tpu.memory_space<hbm>>
      %dma_wait3A_109 = arith.constant 0 : i32
      %dma_wait3A_110 = tpu.memref_slice %arg5[%mul3A_2, %dma_wait3A_109] : memref<16384x64xf32, #tpu.memory_space<hbm>> -> memref<512x64xf32, #tpu.memory_space<hbm>>
      tpu.wait_dma2 semaphore(%run_scoped3A_102 : memref<!tpu.dma_semaphore, #tpu.memory_space<semaphore_mem>>) src(%arg7 : memref<512x64xf32, #tpu.memory_space<vmem>>) dst(%dma_wait3A_110 : memref<512x64xf32, #tpu.memory_space<hbm>>)
      tpu.yield
    }) : () -> ()
    return
  }
}

</mosaic_0001>

<sc_bundles>
// kernel: kernel.3.cloned.1.call-start
scs
__scs_entry_jumppad:
0x0: {  	(pc) =	sbr.rel $0x88, $3  }
0x1: {  	(tag) =	ssettag $0x0;
	lr =	simm.s32 $0x1  }
0x2: {  	[smem:$0x3F9E] =	sst lr;
	_ =	strace $0xD0000000  }
0x3: {  	_ = 	snop  }
0x4: {  	_ = 	snop  }
0x5: {  	_ = 	snop  }
0x6: {  	_ = 	snop  }
0x7: {  	_ = 	snop  }
__scs_overlays_trampoline_lowered:
0x8: {  	[smem:$0x3FAD] =	sst s0  }
0x9: {  	[smem:$0x3FAE] =	sst s1  }
0xa: {  	[smem:$0x3FAF] =	sst s2  }
0xb: {  	[smem:$0x3FB0] =	sst s3  }
0xc: {  	[smem:$0x3FB1] =	sst s4  }
0xd: {  	[smem:$0x3FB2] =	sst s5  }
0xe: {  	[smem:$0x3FB3] =	sst s6  }
0xf: {  	[smem:$0x3FB4] =	sst s7  }
0x10: {  	[smem:$0x3FB5] =	sst s8  }
0x11: {  	[smem:$0x3FB6] =	sst s9;
	s0 =	simm.s32 @!p0 $0x0  }
0x12: {  	s1 =	sld [smem:$0x3F9C];
	s0 =	simm.s32 @p0 $0x1  }
0x13: {  	[smem:$0x3FB7] =	sst s0;
	s0 =	simm.s32 @!p1 $0x0  }
0x14: {  	s2 =	sld [smem:$0x3F9B];
	s0 =	simm.s32 @p1 $0x1  }
0x15: {  	[smem:$0x3FB8] =	sst s0;
	s0 =	simm.s32 @!p2 $0x0  }
0x16: {  	s3 =	sld [smem:$0x3FDB];
	s0 =	simm.s32 @p2 $0x1  }
0x17: {  	s4 =	simm.s32 $0x1BF5;
	[smem:$0x3FBA] =	sst s0  }
0x18: {  	s0 =	sld [smem:$0x3F9D];
	_ =	swait.ge [sflag:s4], $0x0  }
0x19: {  	s7 =	sld [smem:$0x3F9E]  }
0x1a: {  	s8 =	sadd.s32 $0xFFFFE003, lr  }
0x1b: {  	s9 =	sadd.s32 $0xFFFFFEF7, lr;
	s5 =	simm.s32 $0xFFFFFFFF;
	p2 =	slt.u32 s8, $0xFFFFF086  }
0x1c: {  	p1 =	slt.u32 s9, $0xF7A;
	s5 =	simm.s32 @!p2 $0x0  }
0x1d: {  	s5 =	simm.s32 @p1 $0x1;
	p0 =	seq.s32 s7, s2  }
0x1e: {  	s7 =	smul.u32 @!p0 $0xF7A, s2;
	p2 =	seq.s32 @!p0 s5, $0x0  }
0x1f: {  	s9 =	smul.u32 $0xF7A, s1;
	s8 =	simm.s32 @!p0 $0x1BF5;
	p2 =	por !p2, p0  }
0x20: {  	[sflag:s8] =	ssyncset.s32 @!p0 $0xFFFFF086;
	s6 =	sadd.s32 @!p0 s3, s7;
	s7 =	simm.s32 @!p0 $0x108  }
0x21: {  	s3 =	sadd.s32 s3, s9;
	s6 =	sadd.s32 @!p0 $0x88, s6;
	s7 =	simm.s32 @p2 $0x1082  }
0x22: {  	[simem:s7], [sflag:s8] =	dma.local @!p0 [hbm:s6], $0xF7A  }
0x23: {  	s9 =	sor.u32 $0xD0000000, s2;
	s6 =	simm.s32 $0x108;
	_ =	swait.ge @!p0 [sflag:s8], $0x0  }
0x24: {  	s3 =	sadd.s32 $0x88, s3;
	s6 =	simm.s32 @!p1 $0x1082;
	[sflag:s4] =	ssyncset.s32 $0xFFFFF086  }
0x25: {  	[simem:s6], [sflag:s4] =	dma.local [hbm:s3], $0xF7A  }
0x26: {  	[smem:$0x3F9E] =	sst s1;
	(tag) =	ssettag s2;
	_ =	strace s9  }
0x27: {  	s1 =	sld [smem:$0x3FAE]  }
0x28: {  	s2 =	sld [smem:$0x3FAF]  }
0x29: {  	s4 =	sld [smem:$0x3FB1]  }
0x2a: {  	p0 =	seq.s32 s5, $0x0;
	s5 =	sld [smem:$0x3FB2]  }
0x2b: {  	s6 =	sld [smem:$0x3FB3]  }
0x2c: {  	s7 =	sld [smem:$0x3FB4]  }
0x2d: {  	s3 =	simm.s32 $0x108;
	s8 =	sld [smem:$0x3FB5]  }
0x2e: {  	s3 =	simm.s32 @!p0 $0x1082;
	s9 =	sld [smem:$0x3FB6]  }
0x2f: {  	lr =	sadd.s32 s0, s3;
	s0 =	sld [smem:$0x3FAD]  }
0x30: {  	s3 =	sld [smem:$0x3FB0]  }
0x31: {  	[smem:$0x3FB9] =	sst s10  }
0x32: {  	s10 =	sld [smem:$0x3FB7];
	_ =	sdelay $0x3  }
0x33: {  	p0 =	seq.s32 s10, $0x1;
	s10 =	sld [smem:$0x3FB9];
	_ =	sdelay $0x3  }
0x34: {  	[smem:$0x3FB9] =	sst s10  }
0x35: {  	s10 =	sld [smem:$0x3FB8];
	_ =	sdelay $0x3  }
0x36: {  	p1 =	seq.s32 s10, $0x1;
	s10 =	sld [smem:$0x3FB9];
	_ =	sdelay $0x3  }
0x37: {  	[smem:$0x3FB9] =	sst s10  }
0x38: {  	s10 =	sld [smem:$0x3FBA]  }
0x39: {  	_ = 	snop;
	(pc) =	sbr.ind lr, $3  }
0x3a: {  	_ = 	snop  }
0x3b: {  	_ = 	snop  }
0x3c: {  	p2 =	seq.s32 s10, $0x1;
	s10 =	sld [smem:$0x3FB9]  }
0x3d: {  	_ =	shalt  }
0x3e: {  	_ =	shalt  }
0x3f: {  	_ =	shalt  }
0x40: {  	_ =	shalt  }
0x41: {  	_ =	shalt  }
0x42: {  	_ =	shalt  }
0x43: {  	_ =	shalt  }
0x44: {  	_ =	shalt  }
0x45: {  	_ =	shalt  }
0x46: {  	_ =	shalt  }
0x47: {  	_ =	shalt  }
0x48: {  	_ =	shalt  }
0x49: {  	_ =	shalt  }
0x4a: {  	_ =	shalt  }
0x4b: {  	_ =	shalt  }
0x4c: {  	_ =	shalt  }
0x4d: {  	_ =	shalt  }
0x4e: {  	_ =	shalt  }
0x4f: {  	_ =	shalt  }
0x50: {  	_ =	shalt  }
0x51: {  	_ =	shalt  }
0x52: {  	_ =	shalt  }
0x53: {  	_ =	shalt  }
0x54: {  	_ =	shalt  }
0x55: {  	_ =	shalt  }
0x56: {  	_ =	shalt  }
0x57: {  	_ =	shalt  }
0x58: {  	_ =	shalt  }
0x59: {  	_ =	shalt  }
0x5a: {  	_ =	shalt  }
0x5b: {  	_ =	shalt  }
0x5c: {  	_ =	shalt  }
0x5d: {  	_ =	shalt  }
0x5e: {  	_ =	shalt  }
0x5f: {  	_ =	shalt  }
0x60: {  	_ =	shalt  }
0x61: {  	_ =	shalt  }
0x62: {  	_ =	shalt  }
0x63: {  	_ =	shalt  }
0x64: {  	_ =	shalt  }
0x65: {  	_ =	shalt  }
0x66: {  	_ =	shalt  }
0x67: {  	_ =	shalt  }
0x68: {  	_ =	shalt  }
0x69: {  	_ =	shalt  }
0x6a: {  	_ =	shalt  }
0x6b: {  	_ =	shalt  }
0x6c: {  	_ =	shalt  }
0x6d: {  	_ =	shalt  }
0x6e: {  	_ =	shalt  }
0x6f: {  	_ =	shalt  }
0x70: {  	_ =	shalt  }
0x71: {  	_ =	shalt  }
0x72: {  	_ =	shalt  }
0x73: {  	_ =	shalt  }
0x74: {  	_ =	shalt  }
0x75: {  	_ =	shalt  }
0x76: {  	_ =	shalt  }
0x77: {  	_ =	shalt  }
0x78: {  	_ =	shalt  }
0x79: {  	_ =	shalt  }
0x7a: {  	_ =	shalt  }
0x7b: {  	_ =	shalt  }
0x7c: {  	_ =	shalt  }
0x7d: {  	_ =	shalt  }
0x7e: {  	_ =	shalt  }
0x7f: {  	_ =	shalt  }
0x80: {  	_ =	shalt  }
0x81: {  	_ =	shalt  }
0x82: {  	_ =	shalt  }
0x83: {  	_ =	shalt  }
0x84: {  	_ =	shalt  }
0x85: {  	_ =	shalt  }
0x86: {  	_ =	shalt  }
0x87: {  	_ =	shalt  }
.Lfunc_end0:
.L_simem_size_0:
called_computation_lowered:
.L_overlay_start_0:
0x88: {  	s2 =	sld [smem:$0x3FD9]  }
0x89: {  	s3 =	sld [smem:$0x3FFE];
	_ =	sdelay $0x1  }
0x8a: {  	s1 =	srdreg.scid  }
0x8b: {  	s0 =	sand.u32 $0x1, s1  }
0x8c: {  	s17 =	sshll.u32 s0, $0xA;
	s2 =	sadd.s32 s3, s2  }
0x8d: {  	s2 =	sadd.s32 s2, s17  }
0x8e: {  	[smem:$0x3FC5] =	sst s2  }
0x8f: {  	_ = 	snop  }
0x90: {  	s2 =	sld [smem:$0x3FC9]  }
0x91: {  	s18 =	sld [smem:$0x3FC7]  }
0x92: {  	s4 =	sld [smem:$0x3FD0];
	(tm) =	ssettm $0x1  }
0x93: {  	s5 =	sld [smem:$0x3FFB];
	_ =	sdelay $0x3  }
0x94: {  	_ =	strace s5  }
0x95: {  	s5 =	sld [smem:$0x3FFC];
	_ =	sdelay $0x3  }
0x96: {  	_ =	strace s5  }
0x97: {  	s5 =	sld [smem:$0x3FFD];
	_ =	sdelay $0x3  }
0x98: {  	_ =	strace s5  }
0x99: {  	_ =	strace $0x8FFFFFFF  }
0x9a: {  	s19 =	sld [smem:$0x3FDB];
	_ =	sdelay $0x1  }
0x9b: {  	s6 =	simm.s32 $_scs_section_size  }
0x9c: {  	s7 =	simm.s32 $_size__tile_overlayer_lowered;
	s8 =	simm.s32 $_tile_overlayer_lowered  }
0x9d: {  	s22 =	simm.s32 $0x1BFF;
	s21 =	sshll.u32 s8, $0x1;
	s5 =	sadd.s32 s6, s19  }
0x9e: {  	s9 =	simm.s32 $0x0;
	s20 =	sshll.u32 s7, $0x1;
	s7 =	sadd.s32 s21, s5  }
0x9f: {  	[timem:s9], [sflag:s22] =	dma.local [hbm:s7], s20  }
0xa0: {  	_ =	swait.ge [sflag:s22], s20  }
0xa1: {  	s6 =	ssub.s32 $0x0, s20;
	[sflag:s22] =	ssyncset.done $0x0  }
0xa2: {  	[sflag:s22] =	ssyncadd.s32 s6;
	_ =	sdelay $0x1  }
0xa3: {  	s23 =	simm.s32 $0x1B8B  }
0xa4: {  	_ =	swait.ge [sflag:s23], $0x1  }
0xa5: {  	[sflag:s23] =	ssyncset.done $0x0  }
0xa6: {  	s25 =	simm.s32 $0x1B8E;
	s24 =	sld [smem:$0x3FFE];
	[sflag:s23] =	ssyncadd.s32 $0xFFFFFFFF  }
0xa7: {  	s26 =	simm.s32 $execute0_lowered;
	[smem:$0x3FD2] =	sst s25  }
0xa8: {  	s7 =	sshll.u32 s26, $0x1;
	_ =	strace $0x80000046;
	[dreg:$0x1] =	wrdreg $0xFFFFFFFF  }
0xa9: {  	s28 =	simm.s32 $_size_execute0_lowered;
	s5 =	sadd.s32 s5, s7;
	[dreg:$0x0] =	wrdreg $0x0  }
0xaa: {  	s7 =	sshll.u32 s28, $0x1;
	[dreg:$0x2] =	wrdreg s5  }
0xab: {  	[dreg:$0x3] =	wrdreg s7  }
0xac: {  	[dreg:$0x4] =	wrdreg $0xC0  }
0xad: {  	_ =	task [dreg:s9], $0x5FFFF  }
0xae: {  	[dreg:$0x1] =	wrdreg $0xFFFFFFFF  }
0xaf: {  	[dreg:$0x0] =	wrdreg $0x60  }
0xb0: {  	[dreg:$0x2] =	wrdreg s2  }
0xb1: {  	[dreg:$0x3] =	wrdreg s24  }
0xb2: {  	[dreg:$0x4] =	wrdreg s18  }
0xb3: {  	[dreg:$0x5] =	wrdreg s4  }
0xb4: {  	[dreg:$0x6] =	wrdreg $0x9  }
0xb5: {  	_ =	task.clear_ibuf [dreg:s9], $0x7FFFF;
	_ =	strace $0x90000046  }
0xb6: {  	s29 =	simm.s32 $0x9;
	_ =	strace $0x80000048  }
0xb7: {  	_ =	swait.ge [sflag:s29], $0x1  }
0xb8: {  	[sflag:s29] =	ssyncadd.s32 $0xFFFFFFFF  }
0xb9: {  	_ =	strace $0x90000048  }
0xba: {  	_ =	sfence  }
0xbb: {  	s30 =	sld [smem:$0x0];
	_ =	sdelay $0x2  }
0xbc: {  	s31 =	sshll.u32 s1, $0xD;
	s1 =	sshrl.u32 s1, $0x2  }
0xbd: {  	s3 =	sand.u32 $0x4000, s31;
	s1 =	sadd.s32 s1, s30  }
0xbe: {  	s0 =	sor.u32 s3, s0;
	s1 =	sshll.u32 s1, $0x11  }
0xbf: {  	s0 =	sor.u32 s1, s0  }
0xc0: {  	s0 =	sadd.s32 $0x8F2B, s0  }
0xc1: {  	[sflag:s0] =	ssyncadd.remote.s32 $0x1  }
0xc2: {  	_ =	sfence.sel $0xFFFF  }
0xc3: {  	[dreg:$0x0] =	wrdreg $0xFFFFFFFF;
	(pc) =	sbr.abs _section_cstart, $3  }
0xc4: {  	[dreg:$0x1] =	wrdreg $0xFFFFFFFF  }
0xc5: {  	_ =	task.clear_ibuf [dreg:s9], $0x2FFFF;
	_ =	strace $0x9FFFFFFF  }
0xc6: {  	(tm) =	ssettm $0x7FFFFFFF  }
0xc7: {  	_ =	shalt  }
tec
execute0_lowered:
.L_overlay_start_1:
0x0: {  	(tag) =	ssettag $0x1  }
0x1: {  	s5 =	rddreg [dreg:$0x0]  }
0x2: {  	s4 =	rddreg [dreg:$0x1]  }
0x3: {  	s2 =	rddreg [dreg:$0x2]  }
0x4: {  	s9 =	rddreg [dreg:$0x3];
	s3 =	srdreg.scid  }
0x5: {  	s0 =	rddreg [dreg:$0x4];
	s1 =	stileid.u32  }
0x6: {  	s12 =	simm.s32 $0x80;
	s13 =	simm.s32 $0x100;
	s14 =	simm.s32 $0x180  }
0x7: {  	s15 =	simm.s32 $0x8200;
	s16 =	simm.s32 $0x200;
	s17 =	simm.s32 $0x2200  }
0x8: {  	s18 =	simm.s32 $0x4200;
	s19 =	simm.s32 $0x6200;
	s20 =	simm.s32 $0x1  }
0x9: {  	s21 =	simm.s32 $0x0;
	s6 =	sand.u32 $0x1, s3;
	s3 =	simm.s32 $0x0  }
0xa: {  	s7 =	sshll.u32 s1, $0xA;
	s4 =	sadd.s32 $0xF42800, s4;
	s8 =	sshll.u32 s6, $0x9  }
0xb: {  	[smem:$0x7FF] =	sst s3;
	s6 =	ssub.s32 $0x2, s6;
	s7 =	sor.u32 s8, s7  }
0xc: {  	_ =	strace $0x80000047;
	s10 =	sshrl.u32 s6, $0x1;
	s8 =	sshrl.u32 s7, $0x3  }
0xd: {  	s10 =	ssub.s32 s6, s10;
	s11 =	sshll.u32 s7, $0x3;
	s5 =	sadd.s32 s5, s8  }
0xe: {  	s9 =	sadd.s32 s9, s11;
	s10 =	smax.u32 s10, $0x1;
	s11 =	simm.s32 $0x2  }
0xf: {  	s6 =	sadd.s32 $0x10, s5;
	s7 =	sadd.s32 $0x20, s5;
	s8 =	sadd.s32 $0x30, s5  }
.LBB2_1:
0x10: {  	[tilespmem:s3], [sflag:$0x2] =	stream.linear.gather [hbm4b:s5+s3], $0x80, $0x38;
	[tilespmem:$0x8210] =	vst v63  }
0x11: {  	_ =	swait.ge [sflag:s11], $0x80  }
0x12: {  	[sflag:s11] =	ssyncset.done $0x0  }
0x13: {  	[sflag:s11] =	ssyncadd.s32 $0xFFFFFF80  }
0x14: {  	[tilespmem:s12], [sflag:$0x2] =	stream.linear.gather [hbm4b:s6+s3], $0x80, $0x38;
	[tilespmem:$0x8210] =	vst v63  }
0x15: {  	_ =	swait.ge [sflag:s11], $0x80  }
0x16: {  	[sflag:s11] =	ssyncset.done $0x0  }
0x17: {  	[sflag:s11] =	ssyncadd.s32 $0xFFFFFF80  }
0x18: {  	[tilespmem:s13], [sflag:$0x2] =	stream.linear.gather [hbm4b:s7+s3], $0x80, $0x38;
	[tilespmem:$0x8210] =	vst v63  }
0x19: {  	_ =	swait.ge [sflag:s11], $0x80  }
0x1a: {  	[sflag:s11] =	ssyncset.done $0x0  }
0x1b: {  	[sflag:s11] =	ssyncadd.s32 $0xFFFFFF80  }
0x1c: {  	[tilespmem:s14], [sflag:$0x2] =	stream.linear.gather [hbm4b:s8+s3], $0x80, $0x38;
	[tilespmem:$0x8210] =	vst v63  }
0x1d: {  	_ =	swait.ge [sflag:s11], $0x80  }
0x1e: {  	[sflag:s11] =	ssyncset.done $0x0  }
0x1f: {  	[sflag:s11] =	ssyncadd.s32 $0xFFFFFF80  }
0x20: {  	[tilespmem:s15], [sflag:$0x2] =	stream.linear.gather [hbm4b:s2+s3], $0x10, $0x38;
	[tilespmem:$0x8210] =	vst v63  }
0x21: {  	_ =	swait.ge [sflag:s11], $0x10  }
0x22: {  	[sflag:s11] =	ssyncset.done $0x0  }
0x23: {  	[sflag:s11] =	ssyncadd.s32 $0xFFFFFFF0  }
0x24: {  	[tilespmem:s16], [sflag:$0x1] =	stream.indirect.gather [hbm4b:s4+s12], $0x40, s3, s12, $0xb8;
	[tilespmem:$0x8210] =	vst v63  }
0x25: {  	_ = 	snop  }
0x26: {  	[tilespmem:s17], [sflag:$0x1] =	stream.indirect.gather [hbm4b:s4+s12], $0x40, s12, s12, $0xb8;
	[tilespmem:$0x8210] =	vst v63  }
0x27: {  	_ = 	snop  }
0x28: {  	[tilespmem:s18], [sflag:$0x1] =	stream.indirect.gather [hbm4b:s4+s12], $0x40, s13, s12, $0xb8;
	[tilespmem:$0x8210] =	vst v63  }
0x29: {  	_ = 	snop  }
0x2a: {  	[tilespmem:s19], [sflag:$0x1] =	stream.indirect.gather [hbm4b:s4+s12], $0x40, s14, s12, $0xb8;
	[tilespmem:$0x8210] =	vst v63  }
0x2b: {  	_ =	swait.ge [sflag:s20], $0x2000  }
0x2c: {  	[sflag:s20] =	ssyncset.done $0x0  }
0x2d: {  	[sflag:s20] =	ssyncadd.s32 $0xFFFFE000  }
0x2e: {  	_ =	swait.ge [sflag:s20], $0x2000  }
0x2f: {  	[sflag:s20] =	ssyncset.done $0x0  }
0x30: {  	[sflag:s20] =	ssyncadd.s32 $0xFFFFE000  }
0x31: {  	_ =	swait.ge [sflag:s20], $0x2000  }
0x32: {  	[sflag:s20] =	ssyncset.done $0x0  }
0x33: {  	[sflag:s20] =	ssyncadd.s32 $0xFFFFE000  }
0x34: {  	_ =	swait.ge [sflag:s20], $0x2000  }
0x35: {  	[sflag:s20] =	ssyncset.done $0x0  }
0x36: {  	[sflag:s20] =	ssyncadd.s32 $0xFFFFE000  }
0x37: {  	v0 =	vld [tilespmem:$0x8200];
	_ =	sdelay $0x3  }
0x38: {  	s22 =	simm.s32 $0x100;
	s23 =	simm.s32 $0x0  }
.LBB2_2:
0x39: {  	p0 =	sne.s32 s22, $0x1FF00;
	[tilespmem:s23+$0x200] =	vst v0;
	s23 =	smov.u32 s22;
	s22 =	sadd.s32 $0x100, s22  }
.Ltmp0:
0x3a: {  	(pc) =	sbr.rel @p0 .LBB2_2-.Ltmp0, $2  }
0x3b: {  	_ =	sdelay $0x2  }
0x3c: {  	s23 =	sshra.s32 s23, $0x2  }
0x3d: {  	s21 =	sadd.s32 $0x1, s21  }
0x3e: {  	p0 =	sne.s32 s21, s10  }
.Ltmp1:
0x3f: {  	[tilespmem:s23+$0x200] =	vst v0;
	(pc) =	sbr.rel @p0 .LBB2_1-.Ltmp1, $4  }
0x40: {  	[hbm4b:s9+s3] =	stream.linear.scatter [tilespmem:s16], [sflag:$0x2], $0x8000, $0x38;
	[tilespmem:$0x8210] =	vst v63  }
0x41: {  	_ =	swait.ge [sflag:s11], $0x8000  }
0x42: {  	[sflag:s11] =	ssyncset.done $0x0  }
0x43: {  	[sflag:s11] =	ssyncadd.s32 $0xFFFF8000  }
0x44: {  	_ =	sfence.sel $0x180000  }
0x45: {  	[bflag:$0x0] =	sbarrier.arrive $0xFFFF  }
0x46: {  	p0 =	sne.s32 s1, $0x0;
	_ =	strace $0x90000047  }
0x47: {  	s0 =	sadd.s32 @!p0 $0x100000, s0;
	[bflag:$0x2] =	sbarrier.arrive $0xFFFF  }
0x48: {  	[sflag:s0] =	ssyncadd.tile.s32 @!p0 $0x1;
	_ =	shalt  }
.Lfunc_end2:
_tile_overlayer_lowered:
.L_overlay_start_2:
0x49: {  	(tag) =	ssettag $0x2  }
0x4a: {  	s0 =	rddreg [dreg:$0x0];
	s2 =	stileid.u32  }
0x4b: {  	s1 =	rddreg [dreg:$0x1];
	p0 =	sne.s32 s2, $0x0  }
0x4c: {  	s3 =	rddreg [dreg:$0x2];
	[bflag:$0x3] =	sbarrier.arrive $0xFFFF;
	s2 =	simm.s32 @!p0 $0x1C02  }
0x4d: {  	[timem:s3], [sflag:s2] =	dma.local @!p0 [hbm:s0], s1  }
0x4e: {  	s0 =	simm.s32 @!p0 $0x2  }
0x4f: {  	_ =	swait.ge @!p0 [sflag:s0], s1  }
0x50: {  	s1 =	ssub.s32 @!p0 $0x0, s1;
	[sflag:s0] =	ssyncset.done @!p0 $0x0  }
0x51: {  	[sflag:s0] =	ssyncadd.s32 @!p0 s1  }
0x52: {  	[bflag:$0x3] =	sbarrier.arrive $0xFFFF  }
0x53: {  	_ =	shalt  }

</sc_bundles>
